<compile_context>
chip_gen: v7x
topology: tpu7x:2x2x1
jax: 0.10.2.dev20260603
libtpu: 0.0.44.dev20260713+nightly
codegen_flags: <defaults>
</compile_context>

<pallas_src>
import functools

import jax
import jax.numpy as jnp
from jax import lax
from jax.experimental import pallas as pl
from jax.experimental.pallas import tpu as pltpu
from jax.experimental.pallas import tpu_sc as plsc

_NC = 2
_NS = 16
_NW = _NC * _NS
_CHUNK = 128


@functools.partial(jax.jit, static_argnums=(3, 4))
def _sc_sample(table2d, idx, cols, bpw, deg):
    nchunks = bpw // _CHUNK
    mesh = plsc.VectorSubcoreMesh(
        core_axis_name="c", subcore_axis_name="s", num_cores=_NC,
        num_subcores=_NS)

    @functools.partial(
        pl.kernel,
        out_type=jax.ShapeDtypeStruct((_NW, bpw, 16), jnp.int32),
        mesh=mesh,
        scratch_types=[
            pltpu.VMEM((nchunks, _CHUNK), jnp.int32),
            pltpu.VMEM((bpw, deg), jnp.int32),
            pltpu.VMEM((bpw, 16), jnp.int32),
            pltpu.VMEM((16,), jnp.int32),
            pltpu.SemaphoreType.DMA,
        ],
        compiler_params=pltpu.CompilerParams(
            needs_layout_passes=False, use_tc_tiling_on_sc=False),
    )
    def k(table_hbm, idx_hbm, cols_hbm, out_hbm, idx_v, rows_v, out_v,
          cols_v, sem):
        wid = lax.axis_index("s") * _NC + lax.axis_index("c")
        pltpu.sync_copy(cols_hbm, cols_v)
        pltpu.sync_copy(idx_hbm.at[wid], idx_v)
        copies = [
            pltpu.async_copy(
                table_hbm.at[idx_v.at[c]],
                rows_v.at[pl.ds(c * _CHUNK, _CHUNK)],
                sem,
            )
            for c in range(nchunks)
        ]
        for cp in copies:
            cp.wait()
        cols_vec = cols_v[...]

        def shuffle(b, carry):
            row = plsc.load_gather(
                rows_v, [jnp.full((16,), b, jnp.int32), cols_vec])
            out_v[b, :] = row
            return carry

        lax.fori_loop(0, bpw, shuffle, 0, unroll=8)
        pltpu.sync_copy(out_v, out_hbm.at[wid])

    out = k(table2d, idx.reshape(_NW, nchunks, _CHUNK), cols)
    return out.reshape(_NW * bpw, 16)


def kernel(adj_ins, adj_outs, g_id, ids, num_samples, ins):
    G, N, D = adj_ins.shape
    B = ids.shape[0]
    bpw = B // _NW
    perm = jax.random.permutation(jax.random.key(123), D).astype(jnp.int32)
    cols = lax.dynamic_slice(perm, (num_samples - 16,), (16,))
    idx = (ids + jnp.int32(N) * g_id).astype(jnp.int32)
    return lax.cond(
        ins != 0,
        lambda t_in, t_out: _sc_sample(t_in.reshape(G * N, D), idx, cols, bpw, D),
        lambda t_in, t_out: _sc_sample(t_out.reshape(G * N, D), idx, cols, bpw, D),
        adj_ins, adj_outs,
    )

# --- scband reference (transcript-rebuilt; emitter-appended) ---
"""Pipeline reference for scband-uniform-neighbor-sampler-85512798863388 (READ-ONLY COPY).

The authoritative reference and input builder live on the scoring server;
editing this copy changes nothing except your own understanding.
"""

import jax, jax.numpy as jnp
import numpy as np

G, N, D = 2, 100000, 32
B = 16384


def setup_inputs(seed: int = 0) -> dict:
    key = jax.random.key(seed)
    k1, k2, k3 = jax.random.split(key, 3)
    adj_ins = jax.random.randint(k1, (G, N, D), 0, N, dtype=jnp.int32)
    adj_outs = jax.random.randint(k2, (G, N, D), 0, N, dtype=jnp.int32)
    ids = jax.random.randint(k3, (B,), 0, N, dtype=jnp.int32)
    return {
        "adj_ins": adj_ins,
        "adj_outs": adj_outs,
        "g_id": 0,
        "ids": ids,
        "num_samples": 16,
        "ins": 1,
    }


def reference(adj_ins, adj_outs, g_id, ids, num_samples, ins):
    # pick in-edge or out-edge adjacency table, slice out graph g_id
    table = jnp.where(ins != 0, adj_ins, adj_outs)
    num_nodes = table.shape[1]
    degrees = table.shape[2]
    cur_adj_info = jax.lax.dynamic_slice(table, (g_id, 0, 0), (1, num_nodes, degrees))
    cur_adj_info = jnp.reshape(cur_adj_info, (num_nodes, degrees))
    # embedding_lookup: gather padded neighbor lists for the batch of ids
    adj_lists = jnp.take(cur_adj_info, ids, axis=0)  # [B, degrees]
    # tf.random_shuffle on transposed tensor == one shared column permutation
    perm = jax.random.permutation(jax.random.key(123), degrees)
    adj_lists = adj_lists[:, perm]
    # slice first num_samples sampled neighbors per id
    return jax.lax.dynamic_slice(
        adj_lists, (0, num_samples - 16), (adj_lists.shape[0], 16)
    )

if __name__ == "__main__":
    import jax
    _d = setup_inputs()
    print(jax.jit(kernel)(*tuple(_d.values())))

</pallas_src>

<mosaic_0001>
#map = affine_map<(d0, d1) -> (0, 0)>
#map1 = affine_map<(d0, d1) -> (0, 0, 0)>
#map2 = affine_map<(d0, d1) -> (0)>
module attributes {stable_mosaic.version = 14 : i64} {
  func.func @k(%arg0: i32, %arg1: i32, %arg2: memref<200000x32xi32, #tpu.memory_space<hbm>>, %arg3: memref<32x4x128xi32, #tpu.memory_space<hbm>>, %arg4: memref<16xi32, #tpu.memory_space<hbm>>, %arg5: memref<32x512x16xi32, #tpu.memory_space<hbm>>, %arg6: memref<4x128xi32, #tpu.memory_space<vmem>>, %arg7: memref<512x32xi32, #tpu.memory_space<vmem>>, %arg8: memref<512x16xi32, #tpu.memory_space<vmem>>, %arg9: memref<16xi32, #tpu.memory_space<vmem>>, %arg10: memref<!tpu.dma_semaphore, #tpu.memory_space<semaphore_mem>>) attributes {dimension_semantics = [#tpu.dimension_semantics<core_parallel>, #tpu.dimension_semantics<subcore_parallel>], iteration_bounds = array<i64: 2, 16>, scalar_prefetch = 0 : i64, scratch_operands = 5 : i64, tpu.core_type = #tpu.core_type<sc_vector_subcore>, window_params = [{transform_indices = #map}, {transform_indices = #map1}, {transform_indices = #map2}, {transform_indices = #map1}]} {
    %mul3A = arith.constant 2 : i32
    %mul3A_0 = arith.muli %arg1, %mul3A : i32
    %add3A = arith.addi %mul3A_0, %arg0 : i32
    "tpu.region"() ({
      %run_scoped3A = tpu.sem_alloc : memref<!tpu.dma_semaphore, #tpu.memory_space<semaphore_mem>>
      tpu.enqueue_dma source(%arg4 : memref<16xi32, #tpu.memory_space<hbm>>) target(%arg9 : memref<16xi32, #tpu.memory_space<vmem>>) target_semaphore(%run_scoped3A : memref<!tpu.dma_semaphore, #tpu.memory_space<semaphore_mem>>)
      tpu.wait_dma2 semaphore(%run_scoped3A : memref<!tpu.dma_semaphore, #tpu.memory_space<semaphore_mem>>) src(%arg4 : memref<16xi32, #tpu.memory_space<hbm>>) dst(%arg9 : memref<16xi32, #tpu.memory_space<vmem>>)
      tpu.yield
    }) : () -> ()
    "tpu.region"() ({
      %run_scoped3A = tpu.sem_alloc : memref<!tpu.dma_semaphore, #tpu.memory_space<semaphore_mem>>
      %dma_start3A_85 = arith.constant 0 : i32
      %dma_start3A_86 = arith.constant 0 : i32
      %dma_start3A_87 = tpu.memref_slice %arg3[%add3A, %dma_start3A_85, %dma_start3A_86] : memref<32x4x128xi32, #tpu.memory_space<hbm>> -> memref<1x4x128xi32, #tpu.memory_space<hbm>>
      %dma_start3A_88 = tpu.memref_squeeze %dma_start3A_87 : memref<1x4x128xi32, #tpu.memory_space<hbm>> -> memref<4x128xi32, #tpu.memory_space<hbm>>
      %dma_start3A_89 = arith.constant 0 : i32
      %dma_start3A_90 = arith.constant 0 : i32
      %dma_start3A_91 = tpu.memref_slice %arg3[%add3A, %dma_start3A_89, %dma_start3A_90] : memref<32x4x128xi32, #tpu.memory_space<hbm>> -> memref<1x4x128xi32, #tpu.memory_space<hbm>>
      %dma_start3A_92 = tpu.memref_squeeze %dma_start3A_91 : memref<1x4x128xi32, #tpu.memory_space<hbm>> -> memref<4x128xi32, #tpu.memory_space<hbm>>
      tpu.enqueue_dma source(%dma_start3A_92 : memref<4x128xi32, #tpu.memory_space<hbm>>) target(%arg6 : memref<4x128xi32, #tpu.memory_space<vmem>>) target_semaphore(%run_scoped3A : memref<!tpu.dma_semaphore, #tpu.memory_space<semaphore_mem>>)
      %dma_wait3A_93 = arith.constant 0 : i32
      %dma_wait3A_94 = arith.constant 0 : i32
      %dma_wait3A_95 = tpu.memref_slice %arg3[%add3A, %dma_wait3A_93, %dma_wait3A_94] : memref<32x4x128xi32, #tpu.memory_space<hbm>> -> memref<1x4x128xi32, #tpu.memory_space<hbm>>
      %dma_wait3A_96 = tpu.memref_squeeze %dma_wait3A_95 : memref<1x4x128xi32, #tpu.memory_space<hbm>> -> memref<4x128xi32, #tpu.memory_space<hbm>>
      %dma_wait3A_97 = arith.constant 0 : i32
      %dma_wait3A_98 = arith.constant 0 : i32
      %dma_wait3A_99 = tpu.memref_slice %arg3[%add3A, %dma_wait3A_97, %dma_wait3A_98] : memref<32x4x128xi32, #tpu.memory_space<hbm>> -> memref<1x4x128xi32, #tpu.memory_space<hbm>>
      %dma_wait3A_100 = tpu.memref_squeeze %dma_wait3A_99 : memref<1x4x128xi32, #tpu.memory_space<hbm>> -> memref<4x128xi32, #tpu.memory_space<hbm>>
      tpu.wait_dma2 semaphore(%run_scoped3A : memref<!tpu.dma_semaphore, #tpu.memory_space<semaphore_mem>>) src(%dma_wait3A_100 : memref<4x128xi32, #tpu.memory_space<hbm>>) dst(%arg6 : memref<4x128xi32, #tpu.memory_space<vmem>>)
      tpu.yield
    }) : () -> ()
    %dma_start3A = arith.constant 0 : i32
    %dma_start3A_1 = arith.constant 0 : i32
    %dma_start3A_2 = arith.constant 0 : i32
    %dma_start3A_3 = tpu.memref_slice %arg7[%dma_start3A_1, %dma_start3A_2] : memref<512x32xi32, #tpu.memory_space<vmem>> -> memref<128x32xi32, #tpu.memory_space<vmem>>
    %dma_start3A_4 = arith.constant 0 : i32
    %dma_start3A_5 = tpu.memref_slice %arg6[%dma_start3A, %dma_start3A_4] : memref<4x128xi32, #tpu.memory_space<vmem>> -> memref<1x128xi32, #tpu.memory_space<vmem>>
    %dma_start3A_6 = tpu.memref_squeeze %dma_start3A_5 : memref<1x128xi32, #tpu.memory_space<vmem>> -> memref<128xi32, #tpu.memory_space<vmem>>
    %dma_start3A_7 = arith.constant 0 : i32
    %dma_start3A_8 = arith.constant 0 : i32
    %dma_start3A_9 = tpu.memref_slice %arg2[%dma_start3A_7, %dma_start3A_8] : memref<200000x32xi32, #tpu.memory_space<hbm>> -> memref<200000x32xi32, #tpu.memory_space<hbm>>
    tpu.enqueue_indirect_dma source(%dma_start3A_9 : memref<200000x32xi32, #tpu.memory_space<hbm>>) target(%dma_start3A_3 : memref<128x32xi32, #tpu.memory_space<vmem>>) offsets(%dma_start3A_6 : memref<128xi32, #tpu.memory_space<vmem>>) semaphore(%arg10 : memref<!tpu.dma_semaphore, #tpu.memory_space<semaphore_mem>>)
    %dma_start3A_10 = arith.constant 1 : i32
    %dma_start3A_11 = arith.constant 128 : i32
    %dma_start3A_12 = arith.constant 0 : i32
    %dma_start3A_13 = tpu.memref_slice %arg7[%dma_start3A_11, %dma_start3A_12] : memref<512x32xi32, #tpu.memory_space<vmem>> -> memref<128x32xi32, #tpu.memory_space<vmem>>
    %dma_start3A_14 = arith.constant 0 : i32
    %dma_start3A_15 = tpu.memref_slice %arg6[%dma_start3A_10, %dma_start3A_14] : memref<4x128xi32, #tpu.memory_space<vmem>> -> memref<1x128xi32, #tpu.memory_space<vmem>>
    %dma_start3A_16 = tpu.memref_squeeze %dma_start3A_15 : memref<1x128xi32, #tpu.memory_space<vmem>> -> memref<128xi32, #tpu.memory_space<vmem>>
    %dma_start3A_17 = arith.constant 0 : i32
    %dma_start3A_18 = arith.constant 0 : i32
    %dma_start3A_19 = tpu.memref_slice %arg2[%dma_start3A_17, %dma_start3A_18] : memref<200000x32xi32, #tpu.memory_space<hbm>> -> memref<200000x32xi32, #tpu.memory_space<hbm>>
    tpu.enqueue_indirect_dma source(%dma_start3A_19 : memref<200000x32xi32, #tpu.memory_space<hbm>>) target(%dma_start3A_13 : memref<128x32xi32, #tpu.memory_space<vmem>>) offsets(%dma_start3A_16 : memref<128xi32, #tpu.memory_space<vmem>>) semaphore(%arg10 : memref<!tpu.dma_semaphore, #tpu.memory_space<semaphore_mem>>)
    %dma_start3A_20 = arith.constant 2 : i32
    %dma_start3A_21 = arith.constant 256 : i32
    %dma_start3A_22 = arith.constant 0 : i32
    %dma_start3A_23 = tpu.memref_slice %arg7[%dma_start3A_21, %dma_start3A_22] : memref<512x32xi32, #tpu.memory_space<vmem>> -> memref<128x32xi32, #tpu.memory_space<vmem>>
    %dma_start3A_24 = arith.constant 0 : i32
    %dma_start3A_25 = tpu.memref_slice %arg6[%dma_start3A_20, %dma_start3A_24] : memref<4x128xi32, #tpu.memory_space<vmem>> -> memref<1x128xi32, #tpu.memory_space<vmem>>
    %dma_start3A_26 = tpu.memref_squeeze %dma_start3A_25 : memref<1x128xi32, #tpu.memory_space<vmem>> -> memref<128xi32, #tpu.memory_space<vmem>>
    %dma_start3A_27 = arith.constant 0 : i32
    %dma_start3A_28 = arith.constant 0 : i32
    %dma_start3A_29 = tpu.memref_slice %arg2[%dma_start3A_27, %dma_start3A_28] : memref<200000x32xi32, #tpu.memory_space<hbm>> -> memref<200000x32xi32, #tpu.memory_space<hbm>>
    tpu.enqueue_indirect_dma source(%dma_start3A_29 : memref<200000x32xi32, #tpu.memory_space<hbm>>) target(%dma_start3A_23 : memref<128x32xi32, #tpu.memory_space<vmem>>) offsets(%dma_start3A_26 : memref<128xi32, #tpu.memory_space<vmem>>) semaphore(%arg10 : memref<!tpu.dma_semaphore, #tpu.memory_space<semaphore_mem>>)
    %dma_start3A_30 = arith.constant 3 : i32
    %dma_start3A_31 = arith.constant 384 : i32
    %dma_start3A_32 = arith.constant 0 : i32
    %dma_start3A_33 = tpu.memref_slice %arg7[%dma_start3A_31, %dma_start3A_32] : memref<512x32xi32, #tpu.memory_space<vmem>> -> memref<128x32xi32, #tpu.memory_space<vmem>>
    %dma_start3A_34 = arith.constant 0 : i32
    %dma_start3A_35 = tpu.memref_slice %arg6[%dma_start3A_30, %dma_start3A_34] : memref<4x128xi32, #tpu.memory_space<vmem>> -> memref<1x128xi32, #tpu.memory_space<vmem>>
    %dma_start3A_36 = tpu.memref_squeeze %dma_start3A_35 : memref<1x128xi32, #tpu.memory_space<vmem>> -> memref<128xi32, #tpu.memory_space<vmem>>
    %dma_start3A_37 = arith.constant 0 : i32
    %dma_start3A_38 = arith.constant 0 : i32
    %dma_start3A_39 = tpu.memref_slice %arg2[%dma_start3A_37, %dma_start3A_38] : memref<200000x32xi32, #tpu.memory_space<hbm>> -> memref<200000x32xi32, #tpu.memory_space<hbm>>
    tpu.enqueue_indirect_dma source(%dma_start3A_39 : memref<200000x32xi32, #tpu.memory_space<hbm>>) target(%dma_start3A_33 : memref<128x32xi32, #tpu.memory_space<vmem>>) offsets(%dma_start3A_36 : memref<128xi32, #tpu.memory_space<vmem>>) semaphore(%arg10 : memref<!tpu.dma_semaphore, #tpu.memory_space<semaphore_mem>>)
    %dma_wait3A = arith.constant 0 : i32
    %dma_wait3A_40 = arith.constant 0 : i32
    %dma_wait3A_41 = arith.constant 0 : i32
    %dma_wait3A_42 = tpu.memref_slice %arg7[%dma_wait3A_40, %dma_wait3A_41] : memref<512x32xi32, #tpu.memory_space<vmem>> -> memref<128x32xi32, #tpu.memory_space<vmem>>
    %dma_wait3A_43 = arith.constant 0 : i32
    %dma_wait3A_44 = tpu.memref_slice %arg6[%dma_wait3A, %dma_wait3A_43] : memref<4x128xi32, #tpu.memory_space<vmem>> -> memref<1x128xi32, #tpu.memory_space<vmem>>
    %dma_wait3A_45 = tpu.memref_squeeze %dma_wait3A_44 : memref<1x128xi32, #tpu.memory_space<vmem>> -> memref<128xi32, #tpu.memory_space<vmem>>
    %dma_wait3A_46 = arith.constant 0 : i32
    %dma_wait3A_47 = arith.constant 0 : i32
    %dma_wait3A_48 = tpu.memref_slice %arg2[%dma_wait3A_46, %dma_wait3A_47] : memref<200000x32xi32, #tpu.memory_space<hbm>> -> memref<200000x32xi32, #tpu.memory_space<hbm>>
    tpu.wait_indirect_dma semaphore(%arg10 : memref<!tpu.dma_semaphore, #tpu.memory_space<semaphore_mem>>) src(%dma_wait3A_48 : memref<200000x32xi32, #tpu.memory_space<hbm>>) dst(%dma_wait3A_42 : memref<128x32xi32, #tpu.memory_space<vmem>>)
    %dma_wait3A_49 = arith.constant 1 : i32
    %dma_wait3A_50 = arith.constant 128 : i32
    %dma_wait3A_51 = arith.constant 0 : i32
    %dma_wait3A_52 = tpu.memref_slice %arg7[%dma_wait3A_50, %dma_wait3A_51] : memref<512x32xi32, #tpu.memory_space<vmem>> -> memref<128x32xi32, #tpu.memory_space<vmem>>
    %dma_wait3A_53 = arith.constant 0 : i32
    %dma_wait3A_54 = tpu.memref_slice %arg6[%dma_wait3A_49, %dma_wait3A_53] : memref<4x128xi32, #tpu.memory_space<vmem>> -> memref<1x128xi32, #tpu.memory_space<vmem>>
    %dma_wait3A_55 = tpu.memref_squeeze %dma_wait3A_54 : memref<1x128xi32, #tpu.memory_space<vmem>> -> memref<128xi32, #tpu.memory_space<vmem>>
    %dma_wait3A_56 = arith.constant 0 : i32
    %dma_wait3A_57 = arith.constant 0 : i32
    %dma_wait3A_58 = tpu.memref_slice %arg2[%dma_wait3A_56, %dma_wait3A_57] : memref<200000x32xi32, #tpu.memory_space<hbm>> -> memref<200000x32xi32, #tpu.memory_space<hbm>>
    tpu.wait_indirect_dma semaphore(%arg10 : memref<!tpu.dma_semaphore, #tpu.memory_space<semaphore_mem>>) src(%dma_wait3A_58 : memref<200000x32xi32, #tpu.memory_space<hbm>>) dst(%dma_wait3A_52 : memref<128x32xi32, #tpu.memory_space<vmem>>)
    %dma_wait3A_59 = arith.constant 2 : i32
    %dma_wait3A_60 = arith.constant 256 : i32
    %dma_wait3A_61 = arith.constant 0 : i32
    %dma_wait3A_62 = tpu.memref_slice %arg7[%dma_wait3A_60, %dma_wait3A_61] : memref<512x32xi32, #tpu.memory_space<vmem>> -> memref<128x32xi32, #tpu.memory_space<vmem>>
    %dma_wait3A_63 = arith.constant 0 : i32
    %dma_wait3A_64 = tpu.memref_slice %arg6[%dma_wait3A_59, %dma_wait3A_63] : memref<4x128xi32, #tpu.memory_space<vmem>> -> memref<1x128xi32, #tpu.memory_space<vmem>>
    %dma_wait3A_65 = tpu.memref_squeeze %dma_wait3A_64 : memref<1x128xi32, #tpu.memory_space<vmem>> -> memref<128xi32, #tpu.memory_space<vmem>>
    %dma_wait3A_66 = arith.constant 0 : i32
    %dma_wait3A_67 = arith.constant 0 : i32
    %dma_wait3A_68 = tpu.memref_slice %arg2[%dma_wait3A_66, %dma_wait3A_67] : memref<200000x32xi32, #tpu.memory_space<hbm>> -> memref<200000x32xi32, #tpu.memory_space<hbm>>
    tpu.wait_indirect_dma semaphore(%arg10 : memref<!tpu.dma_semaphore, #tpu.memory_space<semaphore_mem>>) src(%dma_wait3A_68 : memref<200000x32xi32, #tpu.memory_space<hbm>>) dst(%dma_wait3A_62 : memref<128x32xi32, #tpu.memory_space<vmem>>)
    %dma_wait3A_69 = arith.constant 3 : i32
    %dma_wait3A_70 = arith.constant 384 : i32
    %dma_wait3A_71 = arith.constant 0 : i32
    %dma_wait3A_72 = tpu.memref_slice %arg7[%dma_wait3A_70, %dma_wait3A_71] : memref<512x32xi32, #tpu.memory_space<vmem>> -> memref<128x32xi32, #tpu.memory_space<vmem>>
    %dma_wait3A_73 = arith.constant 0 : i32
    %dma_wait3A_74 = tpu.memref_slice %arg6[%dma_wait3A_69, %dma_wait3A_73] : memref<4x128xi32, #tpu.memory_space<vmem>> -> memref<1x128xi32, #tpu.memory_space<vmem>>
    %dma_wait3A_75 = tpu.memref_squeeze %dma_wait3A_74 : memref<1x128xi32, #tpu.memory_space<vmem>> -> memref<128xi32, #tpu.memory_space<vmem>>
    %dma_wait3A_76 = arith.constant 0 : i32
    %dma_wait3A_77 = arith.constant 0 : i32
    %dma_wait3A_78 = tpu.memref_slice %arg2[%dma_wait3A_76, %dma_wait3A_77] : memref<200000x32xi32, #tpu.memory_space<hbm>> -> memref<200000x32xi32, #tpu.memory_space<hbm>>
    tpu.wait_indirect_dma semaphore(%arg10 : memref<!tpu.dma_semaphore, #tpu.memory_space<semaphore_mem>>) src(%dma_wait3A_78 : memref<200000x32xi32, #tpu.memory_space<hbm>>) dst(%dma_wait3A_72 : memref<128x32xi32, #tpu.memory_space<vmem>>)
    %get3A = arith.constant 0 : index
    %get3A_79 = tpu.vector_load %arg9[%get3A] {strides = array<i32>} : memref<16xi32, #tpu.memory_space<vmem>>, vector<16xi32>,
    %scan3A = arith.constant 0 : i32
    %scan3A_80 = arith.constant 0 : i32
    %scan3A_81 = arith.constant 512 : i32
    %scan3A_82 = arith.addi %scan3A_80, %scan3A_81 : i32
    %scan3A_83 = arith.constant 8 : i32
    scf.for %scan3A_85 = %scan3A_80 to %scan3A_82 step %scan3A_83  : i32 {
      %broadcast_in_dim3A = vector.broadcast %scan3A_85 : i32 to vector<16xi32>
      %gather3A = tpu.vector_load_idx %arg7[%broadcast_in_dim3A, %get3A_79] : memref<512x32xi32, #tpu.memory_space<vmem>>[vector<16xi32>, vector<16xi32>], vector<16xi32>,
      %swap3A = arith.index_cast %scan3A_85 : i32 to index
      %swap3A_86 = arith.constant 0 : index
      %swap3A_87 = tpu.vector_load %arg8[%swap3A, %swap3A_86] {strides = array<i32>} : memref<512x16xi32, #tpu.memory_space<vmem>>, vector<16xi32>,
      tpu.vector_store %arg8[%swap3A, %swap3A_86], %gather3A {strides = array<i32>} : memref<512x16xi32, #tpu.memory_space<vmem>>, vector<16xi32>,
      %scan3A_88 = arith.constant 1 : i32
      %scan3A_89 = arith.addi %scan3A_85, %scan3A_88 : i32
      %broadcast_in_dim3A_90 = vector.broadcast %scan3A_89 : i32 to vector<16xi32>
      %gather3A_91 = tpu.vector_load_idx %arg7[%broadcast_in_dim3A_90, %get3A_79] : memref<512x32xi32, #tpu.memory_space<vmem>>[vector<16xi32>, vector<16xi32>], vector<16xi32>,
      %swap3A_92 = arith.index_cast %scan3A_89 : i32 to index
      %swap3A_93 = arith.constant 0 : index
      %swap3A_94 = tpu.vector_load %arg8[%swap3A_92, %swap3A_93] {strides = array<i32>} : memref<512x16xi32, #tpu.memory_space<vmem>>, vector<16xi32>,
      tpu.vector_store %arg8[%swap3A_92, %swap3A_93], %gather3A_91 {strides = array<i32>} : memref<512x16xi32, #tpu.memory_space<vmem>>, vector<16xi32>,
      %scan3A_95 = arith.constant 2 : i32
      %scan3A_96 = arith.addi %scan3A_85, %scan3A_95 : i32
      %broadcast_in_dim3A_97 = vector.broadcast %scan3A_96 : i32 to vector<16xi32>
      %gather3A_98 = tpu.vector_load_idx %arg7[%broadcast_in_dim3A_97, %get3A_79] : memref<512x32xi32, #tpu.memory_space<vmem>>[vector<16xi32>, vector<16xi32>], vector<16xi32>,
      %swap3A_99 = arith.index_cast %scan3A_96 : i32 to index
      %swap3A_100 = arith.constant 0 : index
      %swap3A_101 = tpu.vector_load %arg8[%swap3A_99, %swap3A_100] {strides = array<i32>} : memref<512x16xi32, #tpu.memory_space<vmem>>, vector<16xi32>,
      tpu.vector_store %arg8[%swap3A_99, %swap3A_100], %gather3A_98 {strides = array<i32>} : memref<512x16xi32, #tpu.memory_space<vmem>>, vector<16xi32>,
      %scan3A_102 = arith.constant 3 : i32
      %scan3A_103 = arith.addi %scan3A_85, %scan3A_102 : i32
      %broadcast_in_dim3A_104 = vector.broadcast %scan3A_103 : i32 to vector<16xi32>
      %gather3A_105 = tpu.vector_load_idx %arg7[%broadcast_in_dim3A_104, %get3A_79] : memref<512x32xi32, #tpu.memory_space<vmem>>[vector<16xi32>, vector<16xi32>], vector<16xi32>,
      %swap3A_106 = arith.index_cast %scan3A_103 : i32 to index
      %swap3A_107 = arith.constant 0 : index
      %swap3A_108 = tpu.vector_load %arg8[%swap3A_106, %swap3A_107] {strides = array<i32>} : memref<512x16xi32, #tpu.memory_space<vmem>>, vector<16xi32>,
      tpu.vector_store %arg8[%swap3A_106, %swap3A_107], %gather3A_105 {strides = array<i32>} : memref<512x16xi32, #tpu.memory_space<vmem>>, vector<16xi32>,
      %scan3A_109 = arith.constant 4 : i32
      %scan3A_110 = arith.addi %scan3A_85, %scan3A_109 : i32
      %broadcast_in_dim3A_111 = vector.broadcast %scan3A_110 : i32 to vector<16xi32>
      %gather3A_112 = tpu.vector_load_idx %arg7[%broadcast_in_dim3A_111, %get3A_79] : memref<512x32xi32, #tpu.memory_space<vmem>>[vector<16xi32>, vector<16xi32>], vector<16xi32>,
      %swap3A_113 = arith.index_cast %scan3A_110 : i32 to index
      %swap3A_114 = arith.constant 0 : index
      %swap3A_115 = tpu.vector_load %arg8[%swap3A_113, %swap3A_114] {strides = array<i32>} : memref<512x16xi32, #tpu.memory_space<vmem>>, vector<16xi32>,
      tpu.vector_store %arg8[%swap3A_113, %swap3A_114], %gather3A_112 {strides = array<i32>} : memref<512x16xi32, #tpu.memory_space<vmem>>, vector<16xi32>,
      %scan3A_116 = arith.constant 5 : i32
      %scan3A_117 = arith.addi %scan3A_85, %scan3A_116 : i32
      %broadcast_in_dim3A_118 = vector.broadcast %scan3A_117 : i32 to vector<16xi32>
      %gather3A_119 = tpu.vector_load_idx %arg7[%broadcast_in_dim3A_118, %get3A_79] : memref<512x32xi32, #tpu.memory_space<vmem>>[vector<16xi32>, vector<16xi32>], vector<16xi32>,
      %swap3A_120 = arith.index_cast %scan3A_117 : i32 to index
      %swap3A_121 = arith.constant 0 : index
      %swap3A_122 = tpu.vector_load %arg8[%swap3A_120, %swap3A_121] {strides = array<i32>} : memref<512x16xi32, #tpu.memory_space<vmem>>, vector<16xi32>,
      tpu.vector_store %arg8[%swap3A_120, %swap3A_121], %gather3A_119 {strides = array<i32>} : memref<512x16xi32, #tpu.memory_space<vmem>>, vector<16xi32>,
      %scan3A_123 = arith.constant 6 : i32
      %scan3A_124 = arith.addi %scan3A_85, %scan3A_123 : i32
      %broadcast_in_dim3A_125 = vector.broadcast %scan3A_124 : i32 to vector<16xi32>
      %gather3A_126 = tpu.vector_load_idx %arg7[%broadcast_in_dim3A_125, %get3A_79] : memref<512x32xi32, #tpu.memory_space<vmem>>[vector<16xi32>, vector<16xi32>], vector<16xi32>,
      %swap3A_127 = arith.index_cast %scan3A_124 : i32 to index
      %swap3A_128 = arith.constant 0 : index
      %swap3A_129 = tpu.vector_load %arg8[%swap3A_127, %swap3A_128] {strides = array<i32>} : memref<512x16xi32, #tpu.memory_space<vmem>>, vector<16xi32>,
      tpu.vector_store %arg8[%swap3A_127, %swap3A_128], %gather3A_126 {strides = array<i32>} : memref<512x16xi32, #tpu.memory_space<vmem>>, vector<16xi32>,
      %scan3A_130 = arith.constant 7 : i32
      %scan3A_131 = arith.addi %scan3A_85, %scan3A_130 : i32
      %broadcast_in_dim3A_132 = vector.broadcast %scan3A_131 : i32 to vector<16xi32>
      %gather3A_133 = tpu.vector_load_idx %arg7[%broadcast_in_dim3A_132, %get3A_79] : memref<512x32xi32, #tpu.memory_space<vmem>>[vector<16xi32>, vector<16xi32>], vector<16xi32>,
      %swap3A_134 = arith.index_cast %scan3A_131 : i32 to index
      %swap3A_135 = arith.constant 0 : index
      %swap3A_136 = tpu.vector_load %arg8[%swap3A_134, %swap3A_135] {strides = array<i32>} : memref<512x16xi32, #tpu.memory_space<vmem>>, vector<16xi32>,
      tpu.vector_store %arg8[%swap3A_134, %swap3A_135], %gather3A_133 {strides = array<i32>} : memref<512x16xi32, #tpu.memory_space<vmem>>, vector<16xi32>,
    }
    %scan3A_84 = arith.constant 512 : i32
    "tpu.region"() ({
      %run_scoped3A = tpu.sem_alloc : memref<!tpu.dma_semaphore, #tpu.memory_space<semaphore_mem>>
      %dma_start3A_85 = arith.constant 0 : i32
      %dma_start3A_86 = arith.constant 0 : i32
      %dma_start3A_87 = tpu.memref_slice %arg5[%add3A, %dma_start3A_85, %dma_start3A_86] : memref<32x512x16xi32, #tpu.memory_space<hbm>> -> memref<1x512x16xi32, #tpu.memory_space<hbm>>
      %dma_start3A_88 = tpu.memref_squeeze %dma_start3A_87 : memref<1x512x16xi32, #tpu.memory_space<hbm>> -> memref<512x16xi32, #tpu.memory_space<hbm>>
      %dma_start3A_89 = arith.constant 0 : i32
      %dma_start3A_90 = arith.constant 0 : i32
      %dma_start3A_91 = tpu.memref_slice %arg5[%add3A, %dma_start3A_89, %dma_start3A_90] : memref<32x512x16xi32, #tpu.memory_space<hbm>> -> memref<1x512x16xi32, #tpu.memory_space<hbm>>
      %dma_start3A_92 = tpu.memref_squeeze %dma_start3A_91 : memref<1x512x16xi32, #tpu.memory_space<hbm>> -> memref<512x16xi32, #tpu.memory_space<hbm>>
      tpu.enqueue_dma source(%arg8 : memref<512x16xi32, #tpu.memory_space<vmem>>) target(%dma_start3A_92 : memref<512x16xi32, #tpu.memory_space<hbm>>) target_semaphore(%run_scoped3A : memref<!tpu.dma_semaphore, #tpu.memory_space<semaphore_mem>>)
      %dma_wait3A_93 = arith.constant 0 : i32
      %dma_wait3A_94 = arith.constant 0 : i32
      %dma_wait3A_95 = tpu.memref_slice %arg5[%add3A, %dma_wait3A_93, %dma_wait3A_94] : memref<32x512x16xi32, #tpu.memory_space<hbm>> -> memref<1x512x16xi32, #tpu.memory_space<hbm>>
      %dma_wait3A_96 = tpu.memref_squeeze %dma_wait3A_95 : memref<1x512x16xi32, #tpu.memory_space<hbm>> -> memref<512x16xi32, #tpu.memory_space<hbm>>
      %dma_wait3A_97 = arith.constant 0 : i32
      %dma_wait3A_98 = arith.constant 0 : i32
      %dma_wait3A_99 = tpu.memref_slice %arg5[%add3A, %dma_wait3A_97, %dma_wait3A_98] : memref<32x512x16xi32, #tpu.memory_space<hbm>> -> memref<1x512x16xi32, #tpu.memory_space<hbm>>
      %dma_wait3A_100 = tpu.memref_squeeze %dma_wait3A_99 : memref<1x512x16xi32, #tpu.memory_space<hbm>> -> memref<512x16xi32, #tpu.memory_space<hbm>>
      tpu.wait_dma2 semaphore(%run_scoped3A : memref<!tpu.dma_semaphore, #tpu.memory_space<semaphore_mem>>) src(%arg8 : memref<512x16xi32, #tpu.memory_space<vmem>>) dst(%dma_wait3A_100 : memref<512x16xi32, #tpu.memory_space<hbm>>)
      tpu.yield
    }) : () -> ()
    return
  }
}

</mosaic_0001>

<sc_bundles>
// kernel: _sc_sample.3.cloned.1.call-start
scs
__scs_entry_jumppad:
0x0: {  	(pc) =	sbr.rel $0x88, $3  }
0x1: {  	(tag) =	ssettag $0x0;
	lr =	simm.s32 $0x1  }
0x2: {  	[smem:$0x3F9E] =	sst lr;
	_ =	strace $0xD0000000  }
0x3: {  	_ = 	snop  }
0x4: {  	_ = 	snop  }
0x5: {  	_ = 	snop  }
0x6: {  	_ = 	snop  }
0x7: {  	_ = 	snop  }
__scs_overlays_trampoline_lowered:
0x8: {  	[smem:$0x3FAD] =	sst s0  }
0x9: {  	[smem:$0x3FAE] =	sst s1  }
0xa: {  	[smem:$0x3FAF] =	sst s2  }
0xb: {  	[smem:$0x3FB0] =	sst s3  }
0xc: {  	[smem:$0x3FB1] =	sst s4  }
0xd: {  	[smem:$0x3FB2] =	sst s5  }
0xe: {  	[smem:$0x3FB3] =	sst s6  }
0xf: {  	[smem:$0x3FB4] =	sst s7  }
0x10: {  	[smem:$0x3FB5] =	sst s8  }
0x11: {  	[smem:$0x3FB6] =	sst s9;
	s0 =	simm.s32 @!p0 $0x0  }
0x12: {  	s1 =	sld [smem:$0x3F9C];
	s0 =	simm.s32 @p0 $0x1  }
0x13: {  	[smem:$0x3FB7] =	sst s0;
	s0 =	simm.s32 @!p1 $0x0  }
0x14: {  	s2 =	sld [smem:$0x3F9B];
	s0 =	simm.s32 @p1 $0x1  }
0x15: {  	[smem:$0x3FB8] =	sst s0;
	s0 =	simm.s32 @!p2 $0x0  }
0x16: {  	s3 =	sld [smem:$0x3FDB];
	s0 =	simm.s32 @p2 $0x1  }
0x17: {  	s4 =	simm.s32 $0x1BF5;
	[smem:$0x3FBA] =	sst s0  }
0x18: {  	s0 =	sld [smem:$0x3F9D];
	_ =	swait.ge [sflag:s4], $0x0  }
0x19: {  	s7 =	sld [smem:$0x3F9E]  }
0x1a: {  	s8 =	sadd.s32 $0xFFFFE003, lr  }
0x1b: {  	s9 =	sadd.s32 $0xFFFFFEF7, lr;
	s5 =	simm.s32 $0xFFFFFFFF;
	p2 =	slt.u32 s8, $0xFFFFF086  }
0x1c: {  	p1 =	slt.u32 s9, $0xF7A;
	s5 =	simm.s32 @!p2 $0x0  }
0x1d: {  	s5 =	simm.s32 @p1 $0x1;
	p0 =	seq.s32 s7, s2  }
0x1e: {  	s7 =	smul.u32 @!p0 $0xF7A, s2;
	p2 =	seq.s32 @!p0 s5, $0x0  }
0x1f: {  	s9 =	smul.u32 $0xF7A, s1;
	s8 =	simm.s32 @!p0 $0x1BF5;
	p2 =	por !p2, p0  }
0x20: {  	[sflag:s8] =	ssyncset.s32 @!p0 $0xFFFFF086;
	s6 =	sadd.s32 @!p0 s3, s7;
	s7 =	simm.s32 @!p0 $0x108  }
0x21: {  	s3 =	sadd.s32 s3, s9;
	s6 =	sadd.s32 @!p0 $0x88, s6;
	s7 =	simm.s32 @p2 $0x1082  }
0x22: {  	[simem:s7], [sflag:s8] =	dma.local @!p0 [hbm:s6], $0xF7A  }
0x23: {  	s9 =	sor.u32 $0xD0000000, s2;
	s6 =	simm.s32 $0x108;
	_ =	swait.ge @!p0 [sflag:s8], $0x0  }
0x24: {  	s3 =	sadd.s32 $0x88, s3;
	s6 =	simm.s32 @!p1 $0x1082;
	[sflag:s4] =	ssyncset.s32 $0xFFFFF086  }
0x25: {  	[simem:s6], [sflag:s4] =	dma.local [hbm:s3], $0xF7A  }
0x26: {  	[smem:$0x3F9E] =	sst s1;
	(tag) =	ssettag s2;
	_ =	strace s9  }
0x27: {  	s1 =	sld [smem:$0x3FAE]  }
0x28: {  	s2 =	sld [smem:$0x3FAF]  }
0x29: {  	s4 =	sld [smem:$0x3FB1]  }
0x2a: {  	p0 =	seq.s32 s5, $0x0;
	s5 =	sld [smem:$0x3FB2]  }
0x2b: {  	s6 =	sld [smem:$0x3FB3]  }
0x2c: {  	s7 =	sld [smem:$0x3FB4]  }
0x2d: {  	s3 =	simm.s32 $0x108;
	s8 =	sld [smem:$0x3FB5]  }
0x2e: {  	s3 =	simm.s32 @!p0 $0x1082;
	s9 =	sld [smem:$0x3FB6]  }
0x2f: {  	lr =	sadd.s32 s0, s3;
	s0 =	sld [smem:$0x3FAD]  }
0x30: {  	s3 =	sld [smem:$0x3FB0]  }
0x31: {  	[smem:$0x3FB9] =	sst s10  }
0x32: {  	s10 =	sld [smem:$0x3FB7];
	_ =	sdelay $0x3  }
0x33: {  	p0 =	seq.s32 s10, $0x1;
	s10 =	sld [smem:$0x3FB9];
	_ =	sdelay $0x3  }
0x34: {  	[smem:$0x3FB9] =	sst s10  }
0x35: {  	s10 =	sld [smem:$0x3FB8];
	_ =	sdelay $0x3  }
0x36: {  	p1 =	seq.s32 s10, $0x1;
	s10 =	sld [smem:$0x3FB9];
	_ =	sdelay $0x3  }
0x37: {  	[smem:$0x3FB9] =	sst s10  }
0x38: {  	s10 =	sld [smem:$0x3FBA]  }
0x39: {  	_ = 	snop;
	(pc) =	sbr.ind lr, $3  }
0x3a: {  	_ = 	snop  }
0x3b: {  	_ = 	snop  }
0x3c: {  	p2 =	seq.s32 s10, $0x1;
	s10 =	sld [smem:$0x3FB9]  }
0x3d: {  	_ =	shalt  }
0x3e: {  	_ =	shalt  }
0x3f: {  	_ =	shalt  }
0x40: {  	_ =	shalt  }
0x41: {  	_ =	shalt  }
0x42: {  	_ =	shalt  }
0x43: {  	_ =	shalt  }
0x44: {  	_ =	shalt  }
0x45: {  	_ =	shalt  }
0x46: {  	_ =	shalt  }
0x47: {  	_ =	shalt  }
0x48: {  	_ =	shalt  }
0x49: {  	_ =	shalt  }
0x4a: {  	_ =	shalt  }
0x4b: {  	_ =	shalt  }
0x4c: {  	_ =	shalt  }
0x4d: {  	_ =	shalt  }
0x4e: {  	_ =	shalt  }
0x4f: {  	_ =	shalt  }
0x50: {  	_ =	shalt  }
0x51: {  	_ =	shalt  }
0x52: {  	_ =	shalt  }
0x53: {  	_ =	shalt  }
0x54: {  	_ =	shalt  }
0x55: {  	_ =	shalt  }
0x56: {  	_ =	shalt  }
0x57: {  	_ =	shalt  }
0x58: {  	_ =	shalt  }
0x59: {  	_ =	shalt  }
0x5a: {  	_ =	shalt  }
0x5b: {  	_ =	shalt  }
0x5c: {  	_ =	shalt  }
0x5d: {  	_ =	shalt  }
0x5e: {  	_ =	shalt  }
0x5f: {  	_ =	shalt  }
0x60: {  	_ =	shalt  }
0x61: {  	_ =	shalt  }
0x62: {  	_ =	shalt  }
0x63: {  	_ =	shalt  }
0x64: {  	_ =	shalt  }
0x65: {  	_ =	shalt  }
0x66: {  	_ =	shalt  }
0x67: {  	_ =	shalt  }
0x68: {  	_ =	shalt  }
0x69: {  	_ =	shalt  }
0x6a: {  	_ =	shalt  }
0x6b: {  	_ =	shalt  }
0x6c: {  	_ =	shalt  }
0x6d: {  	_ =	shalt  }
0x6e: {  	_ =	shalt  }
0x6f: {  	_ =	shalt  }
0x70: {  	_ =	shalt  }
0x71: {  	_ =	shalt  }
0x72: {  	_ =	shalt  }
0x73: {  	_ =	shalt  }
0x74: {  	_ =	shalt  }
0x75: {  	_ =	shalt  }
0x76: {  	_ =	shalt  }
0x77: {  	_ =	shalt  }
0x78: {  	_ =	shalt  }
0x79: {  	_ =	shalt  }
0x7a: {  	_ =	shalt  }
0x7b: {  	_ =	shalt  }
0x7c: {  	_ =	shalt  }
0x7d: {  	_ =	shalt  }
0x7e: {  	_ =	shalt  }
0x7f: {  	_ =	shalt  }
0x80: {  	_ =	shalt  }
0x81: {  	_ =	shalt  }
0x82: {  	_ =	shalt  }
0x83: {  	_ =	shalt  }
0x84: {  	_ =	shalt  }
0x85: {  	_ =	shalt  }
0x86: {  	_ =	shalt  }
0x87: {  	_ =	shalt  }
.Lfunc_end0:
.L_simem_size_0:
called_computation_lowered:
.L_overlay_start_0:
0x88: {  	s2 =	sld [smem:$0x3FD9]  }
0x89: {  	s3 =	sld [smem:$0x3FFE];
	_ =	sdelay $0x1  }
0x8a: {  	s1 =	srdreg.scid  }
0x8b: {  	s0 =	sand.u32 $0x1, s1  }
0x8c: {  	s17 =	sshll.u32 s0, $0xA;
	s2 =	sadd.s32 s3, s2  }
0x8d: {  	s2 =	sadd.s32 s2, s17  }
0x8e: {  	[smem:$0x3FC5] =	sst s2  }
0x8f: {  	_ = 	snop  }
0x90: {  	s2 =	sld [smem:$0x3FC8]  }
0x91: {  	s18 =	sld [smem:$0x3FC7]  }
0x92: {  	s4 =	sld [smem:$0x3FD0];
	(tm) =	ssettm $0x1  }
0x93: {  	s5 =	sld [smem:$0x3FFB];
	_ =	sdelay $0x3  }
0x94: {  	_ =	strace s5  }
0x95: {  	s5 =	sld [smem:$0x3FFC];
	_ =	sdelay $0x3  }
0x96: {  	_ =	strace s5  }
0x97: {  	s5 =	sld [smem:$0x3FFD];
	_ =	sdelay $0x3  }
0x98: {  	_ =	strace s5  }
0x99: {  	_ =	strace $0x8FFFFFFF  }
0x9a: {  	s19 =	sld [smem:$0x3FDB];
	_ =	sdelay $0x1  }
0x9b: {  	s6 =	simm.s32 $_scs_section_size  }
0x9c: {  	s7 =	simm.s32 $_size__tile_overlayer_lowered;
	s8 =	simm.s32 $_tile_overlayer_lowered  }
0x9d: {  	s22 =	simm.s32 $0x1BFF;
	s21 =	sshll.u32 s8, $0x1;
	s5 =	sadd.s32 s6, s19  }
0x9e: {  	s9 =	simm.s32 $0x0;
	s20 =	sshll.u32 s7, $0x1;
	s7 =	sadd.s32 s21, s5  }
0x9f: {  	[timem:s9], [sflag:s22] =	dma.local [hbm:s7], s20  }
0xa0: {  	_ =	swait.ge [sflag:s22], s20  }
0xa1: {  	s6 =	ssub.s32 $0x0, s20;
	[sflag:s22] =	ssyncset.done $0x0  }
0xa2: {  	[sflag:s22] =	ssyncadd.s32 s6;
	_ =	sdelay $0x1  }
0xa3: {  	s23 =	simm.s32 $0x1B8B  }
0xa4: {  	_ =	swait.ge [sflag:s23], $0x1  }
0xa5: {  	[sflag:s23] =	ssyncset.done $0x0  }
0xa6: {  	s25 =	simm.s32 $0x1B8E;
	s24 =	sld [smem:$0x3FFE];
	[sflag:s23] =	ssyncadd.s32 $0xFFFFFFFF  }
0xa7: {  	s26 =	simm.s32 $execute0_lowered;
	[smem:$0x3FD2] =	sst s25  }
0xa8: {  	s7 =	sshll.u32 s26, $0x1;
	_ =	strace $0x80000046;
	[dreg:$0x1] =	wrdreg $0xFFFFFFFF  }
0xa9: {  	s28 =	simm.s32 $_size_execute0_lowered;
	s5 =	sadd.s32 s5, s7;
	[dreg:$0x0] =	wrdreg $0x0  }
0xaa: {  	s7 =	sshll.u32 s28, $0x1;
	[dreg:$0x2] =	wrdreg s5  }
0xab: {  	[dreg:$0x3] =	wrdreg s7  }
0xac: {  	[dreg:$0x4] =	wrdreg $0xC0  }
0xad: {  	_ =	task [dreg:s9], $0x5FFFF  }
0xae: {  	[dreg:$0x1] =	wrdreg $0xFFFFFFFF  }
0xaf: {  	[dreg:$0x0] =	wrdreg $0x60  }
0xb0: {  	[dreg:$0x2] =	wrdreg s24  }
0xb1: {  	[dreg:$0x3] =	wrdreg s2  }
0xb2: {  	[dreg:$0x4] =	wrdreg s18  }
0xb3: {  	[dreg:$0x5] =	wrdreg s4  }
0xb4: {  	[dreg:$0x6] =	wrdreg $0x9  }
0xb5: {  	_ =	task.clear_ibuf [dreg:s9], $0x7FFFF;
	_ =	strace $0x90000046  }
0xb6: {  	s29 =	simm.s32 $0x9;
	_ =	strace $0x80000048  }
0xb7: {  	_ =	swait.ge [sflag:s29], $0x1  }
0xb8: {  	[sflag:s29] =	ssyncadd.s32 $0xFFFFFFFF  }
0xb9: {  	_ =	strace $0x90000048  }
0xba: {  	_ =	sfence  }
0xbb: {  	s30 =	sld [smem:$0x0];
	_ =	sdelay $0x2  }
0xbc: {  	s31 =	sshll.u32 s1, $0xD;
	s1 =	sshrl.u32 s1, $0x2  }
0xbd: {  	s3 =	sand.u32 $0x4000, s31;
	s1 =	sadd.s32 s1, s30  }
0xbe: {  	s0 =	sor.u32 s3, s0;
	s1 =	sshll.u32 s1, $0x11  }
0xbf: {  	s0 =	sor.u32 s1, s0  }
0xc0: {  	s0 =	sadd.s32 $0x8F2B, s0  }
0xc1: {  	[sflag:s0] =	ssyncadd.remote.s32 $0x1  }
0xc2: {  	_ =	sfence.sel $0xFFFF  }
0xc3: {  	[dreg:$0x0] =	wrdreg $0xFFFFFFFF;
	(pc) =	sbr.abs _section_cstart, $3  }
0xc4: {  	[dreg:$0x1] =	wrdreg $0xFFFFFFFF  }
0xc5: {  	_ =	task.clear_ibuf [dreg:s9], $0x2FFFF;
	_ =	strace $0x9FFFFFFF  }
0xc6: {  	(tm) =	ssettm $0x7FFFFFFF  }
0xc7: {  	_ =	shalt  }
tec
execute0_lowered:
.L_overlay_start_1:
0x0: {  	(tag) =	ssettag $0x1  }
0x1: {  	s4 =	rddreg [dreg:$0x0]  }
0x2: {  	s5 =	rddreg [dreg:$0x1]  }
0x3: {  	s1 =	rddreg [dreg:$0x2]  }
0x4: {  	s6 =	rddreg [dreg:$0x3]  }
0x5: {  	s0 =	rddreg [dreg:$0x4];
	s3 =	simm.s32 $0x0;
	s7 =	srdreg.scid  }
0x6: {  	s2 =	stileid.u32;
	s11 =	simm.s32 $0x200;
	s12 =	simm.s32 $0x1200  }
0x7: {  	s13 =	simm.s32 $0x100;
	s14 =	simm.s32 $0x2200;
	s15 =	simm.s32 $0x180  }
0x8: {  	s16 =	simm.s32 $0x3200;
	s17 =	simm.s32 $0x1;
	s18 =	simm.s32 $0x4200  }
0x9: {  	s19 =	simm.s32 $0x0;
	[smem:$0x7FF] =	sst s3;
	s7 =	sand.u32 $0x1, s7  }
0xa: {  	s9 =	sshll.u32 s2, $0x1;
	s4 =	sadd.s32 $0x30D800, s4;
	s8 =	ssub.s32 $0x2, s7  }
0xb: {  	_ =	strace $0x80000047;
	s7 =	sor.u32 s7, s9;
	s10 =	sshrl.u32 s8, $0x1  }
0xc: {  	s9 =	sshll.u32 s7, $0x6;
	s7 =	sshll.u32 s7, $0xA;
	s8 =	ssub.s32 s8, s10  }
0xd: {  	s5 =	sadd.s32 s5, s9;
	s6 =	sadd.s32 s6, s7;
	s9 =	simm.s32 $0x2  }
0xe: {  	s10 =	simm.s32 $0x80;
	s7 =	smax.u32 s8, $0x1;
	s8 =	simm.s32 $0x6200  }
.LBB2_1:
0xf: {  	[tilespmem:s8], [sflag:$0x2] =	stream.linear.gather [hbm4b:s1+s3], $0x10, $0x38;
	[tilespmem:$0x6210] =	vst v63  }
0x10: {  	_ =	swait.ge [sflag:s9], $0x10  }
0x11: {  	[sflag:s9] =	ssyncset.done $0x0  }
0x12: {  	[sflag:s9] =	ssyncadd.s32 $0xFFFFFFF0  }
0x13: {  	[tilespmem:s3], [sflag:$0x2] =	stream.linear.gather [hbm4b:s5+s3], $0x200, $0x38;
	[tilespmem:$0x6210] =	vst v63  }
0x14: {  	_ =	swait.ge [sflag:s9], $0x200  }
0x15: {  	[sflag:s9] =	ssyncset.done $0x0  }
0x16: {  	[sflag:s9] =	ssyncadd.s32 $0xFFFFFE00  }
0x17: {  	[tilespmem:s11], [sflag:$0x1] =	stream.indirect.gather [hbm4b:s4+s10], $0x20, s3, s10, $0xb8;
	[tilespmem:$0x6210] =	vst v63  }
0x18: {  	_ = 	snop  }
0x19: {  	[tilespmem:s12], [sflag:$0x1] =	stream.indirect.gather [hbm4b:s4+s10], $0x20, s10, s10, $0xb8;
	[tilespmem:$0x6210] =	vst v63  }
0x1a: {  	_ = 	snop  }
0x1b: {  	[tilespmem:s14], [sflag:$0x1] =	stream.indirect.gather [hbm4b:s4+s10], $0x20, s13, s10, $0xb8;
	[tilespmem:$0x6210] =	vst v63  }
0x1c: {  	_ = 	snop  }
0x1d: {  	[tilespmem:s16], [sflag:$0x1] =	stream.indirect.gather [hbm4b:s4+s10], $0x20, s15, s10, $0xb8;
	[tilespmem:$0x6210] =	vst v63  }
0x1e: {  	_ =	swait.ge [sflag:s17], $0x1000  }
0x1f: {  	[sflag:s17] =	ssyncset.done $0x0  }
0x20: {  	[sflag:s17] =	ssyncadd.s32 $0xFFFFF000  }
0x21: {  	_ =	swait.ge [sflag:s17], $0x1000  }
0x22: {  	[sflag:s17] =	ssyncset.done $0x0  }
0x23: {  	[sflag:s17] =	ssyncadd.s32 $0xFFFFF000  }
0x24: {  	_ =	swait.ge [sflag:s17], $0x1000  }
0x25: {  	[sflag:s17] =	ssyncset.done $0x0  }
0x26: {  	[sflag:s17] =	ssyncadd.s32 $0xFFFFF000  }
0x27: {  	_ =	swait.ge [sflag:s17], $0x1000  }
0x28: {  	[sflag:s17] =	ssyncset.done $0x0  }
0x29: {  	[sflag:s17] =	ssyncadd.s32 $0xFFFFF000  }
0x2a: {  	v0 =	vld [tilespmem:$0x6200];
	_ =	sdelay $0x3  }
0x2b: {  	s20 =	simm.s32 $0x0  }
0x2c: {  	v1 =	vadd.s32 s20, v0;
	_ =	sdelay $0x4  }
0x2d: {  	s25 =	simm.s32 $0x20;
	v1 =	vld.idx.msk [tilespmem:v1+s11+$0x0], $0xffff  }
0x2e: {  	v2 =	vadd.s32 s25, v0;
	_ =	sdelay $0x2  }
0x2f: {  	s20 =	simm.s32 $0x4240  }
0x30: {  	[tilespmem:s20+$0xFFFFFFC0] =	vst v1  }
0x31: {  	s21 =	simm.s32 $0x40;
	v1 =	vld.idx.msk [tilespmem:v2+s11+$0x0], $0xffff  }
0x32: {  	v2 =	vadd.s32 s21, v0;
	_ =	sdelay $0x3  }
0x33: {  	[tilespmem:s20+$0xFFFFFFD0] =	vst v1  }
0x34: {  	s26 =	simm.s32 $0x60;
	v1 =	vld.idx.msk [tilespmem:v2+s11+$0x0], $0xffff  }
0x35: {  	v2 =	vadd.s32 s26, v0;
	_ =	sdelay $0x3  }
0x36: {  	[tilespmem:s20+$0xFFFFFFE0] =	vst v1  }
0x37: {  	s28 =	simm.s32 $0x80;
	v1 =	vld.idx.msk [tilespmem:v2+s11+$0x0], $0xffff  }
0x38: {  	v2 =	vadd.s32 s28, v0;
	_ =	sdelay $0x3  }
0x39: {  	[tilespmem:s20+$0xFFFFFFF0] =	vst v1  }
0x3a: {  	s29 =	simm.s32 $0xA0;
	v1 =	vld.idx.msk [tilespmem:v2+s11+$0x0], $0xffff  }
0x3b: {  	v2 =	vadd.s32 s29, v0;
	_ =	sdelay $0x3  }
0x3c: {  	[tilespmem:s20+$0x0] =	vst v1  }
0x3d: {  	s30 =	simm.s32 $0xC0;
	v1 =	vld.idx.msk [tilespmem:v2+s11+$0x0], $0xffff  }
0x3e: {  	v2 =	vadd.s32 s30, v0;
	_ =	sdelay $0x3  }
0x3f: {  	[tilespmem:s20+$0x10] =	vst v1  }
0x40: {  	s31 =	simm.s32 $0xE0;
	v1 =	vld.idx.msk [tilespmem:v2+s11+$0x0], $0xffff  }
0x41: {  	v2 =	vadd.s32 s31, v0;
	_ =	sdelay $0x3  }
0x42: {  	[tilespmem:s20+$0x20] =	vst v1  }
0x43: {  	s22 =	simm.s32 $0x10;
	s21 =	simm.s32 $0x100;
	v1 =	vld.idx.msk [tilespmem:v2+s11+$0x0], $0xffff  }
.LBB2_2:
0x44: {  	p0 =	slt.u32 s22, $0x1F8;
	v2 =	vadd.s32 s21, v0;
	_ =	sdelay $0x3  }
0x45: {  	[tilespmem:s20+$0x30] =	vst v1  }
0x46: {  	v1 =	vld.idx.msk [tilespmem:v2+s11+$0x0], $0xffff  }
0x47: {  	s23 =	sadd.s32 $0x20, s21  }
0x48: {  	v2 =	vadd.s32 s23, v0;
	_ =	sdelay $0x2  }
0x49: {  	s20 =	sadd.s32 $0x80, s20  }
0x4a: {  	[tilespmem:s20+$0xFFFFFFC0] =	vst v1  }
0x4b: {  	v1 =	vld.idx.msk [tilespmem:v2+s11+$0x0], $0xffff  }
0x4c: {  	s23 =	sadd.s32 $0x40, s21  }
0x4d: {  	v2 =	vadd.s32 s23, v0;
	_ =	sdelay $0x3  }
0x4e: {  	[tilespmem:s20+$0xFFFFFFD0] =	vst v1  }
0x4f: {  	v1 =	vld.idx.msk [tilespmem:v2+s11+$0x0], $0xffff  }
0x50: {  	s23 =	sadd.s32 $0x60, s21  }
0x51: {  	v2 =	vadd.s32 s23, v0;
	_ =	sdelay $0x3  }
0x52: {  	[tilespmem:s20+$0xFFFFFFE0] =	vst v1  }
0x53: {  	v1 =	vld.idx.msk [tilespmem:v2+s11+$0x0], $0xffff  }
0x54: {  	s23 =	sadd.s32 $0x80, s21  }
0x55: {  	v2 =	vadd.s32 s23, v0;
	_ =	sdelay $0x3  }
0x56: {  	[tilespmem:s20+$0xFFFFFFF0] =	vst v1  }
0x57: {  	v1 =	vld.idx.msk [tilespmem:v2+s11+$0x0], $0xffff  }
0x58: {  	s23 =	sadd.s32 $0xA0, s21  }
0x59: {  	v2 =	vadd.s32 s23, v0;
	_ =	sdelay $0x3  }
0x5a: {  	[tilespmem:s20+$0x0] =	vst v1  }
0x5b: {  	v1 =	vld.idx.msk [tilespmem:v2+s11+$0x0], $0xffff  }
0x5c: {  	s23 =	sadd.s32 $0xC0, s21  }
0x5d: {  	v2 =	vadd.s32 s23, v0;
	_ =	sdelay $0x3  }
0x5e: {  	[tilespmem:s20+$0x10] =	vst v1  }
0x5f: {  	v1 =	vld.idx.msk [tilespmem:v2+s11+$0x0], $0xffff  }
0x60: {  	s21 =	sadd.s32 $0xE0, s21  }
0x61: {  	v2 =	vadd.s32 s21, v0;
	_ =	sdelay $0x1  }
.Ltmp0:
0x62: {  	(pc) =	sbr.rel @p0 .LBB2_2-.Ltmp0, $4  }
0x63: {  	_ = 	snop  }
0x64: {  	[tilespmem:s20+$0x20] =	vst v1  }
0x65: {  	v1 =	vld.idx.msk [tilespmem:v2+s11+$0x0], $0xffff  }
0x66: {  	s21 =	sshll.u32 s22, $0x5;
	s22 =	sadd.s32 $0x8, s22  }
0x67: {  	v2 =	vadd.s32 s21, v0;
	_ =	sdelay $0x3  }
0x68: {  	[tilespmem:s20+$0x30] =	vst v1  }
0x69: {  	s22 =	sadd.s32 $0x20, s21;
	v1 =	vld.idx.msk [tilespmem:v2+s11+$0x0], $0xffff  }
0x6a: {  	v57 =	vadd.s32 s22, v0;
	_ =	sdelay $0x2  }
0x6b: {  	s24 =	sadd.s32 $0x80, s20  }
0x6c: {  	[tilespmem:s24+$0xFFFFFFC0] =	vst v1  }
0x6d: {  	s25 =	sadd.s32 $0x40, s21;
	v1 =	vld.idx.msk [tilespmem:v57+s11+$0x0], $0xffff  }
0x6e: {  	v58 =	vadd.s32 s25, v0;
	_ =	sdelay $0x3  }
0x6f: {  	[tilespmem:s24+$0xFFFFFFD0] =	vst v1  }
0x70: {  	s26 =	sadd.s32 $0x60, s21;
	v1 =	vld.idx.msk [tilespmem:v58+s11+$0x0], $0xffff  }
0x71: {  	v59 =	vadd.s32 s26, v0;
	_ =	sdelay $0x3  }
0x72: {  	[tilespmem:s24+$0xFFFFFFE0] =	vst v1  }
0x73: {  	s28 =	sadd.s32 $0x80, s21;
	v1 =	vld.idx.msk [tilespmem:v59+s11+$0x0], $0xffff  }
0x74: {  	v60 =	vadd.s32 s28, v0;
	_ =	sdelay $0x3  }
0x75: {  	[tilespmem:s24+$0xFFFFFFF0] =	vst v1  }
0x76: {  	s29 =	sadd.s32 $0xA0, s21;
	v1 =	vld.idx.msk [tilespmem:v60+s11+$0x0], $0xffff  }
0x77: {  	v61 =	vadd.s32 s29, v0;
	_ =	sdelay $0x3  }
0x78: {  	[tilespmem:s24+$0x0] =	vst v1  }
0x79: {  	s30 =	sadd.s32 $0xC0, s21;
	v1 =	vld.idx.msk [tilespmem:v61+s11+$0x0], $0xffff  }
0x7a: {  	v62 =	vadd.s32 s30, v0;
	_ =	sdelay $0x3  }
0x7b: {  	[tilespmem:s24+$0x10] =	vst v1  }
0x7c: {  	s31 =	sadd.s32 $0xE0, s21;
	v1 =	vld.idx.msk [tilespmem:v62+s11+$0x0], $0xffff  }
0x7d: {  	v63 =	vadd.s32 s31, v0;
	_ =	sdelay $0x3  }
0x7e: {  	[tilespmem:s24+$0x20] =	vst v1  }
0x7f: {  	v0 =	vld.idx.msk [tilespmem:v63+s11+$0x0], $0xffff;
	_ =	sdelay $0x2  }
0x80: {  	s19 =	sadd.s32 $0x1, s19  }
0x81: {  	p0 =	sne.s32 s19, s7  }
.Ltmp1:
0x82: {  	[tilespmem:s24+$0x30] =	vst v0;
	(pc) =	sbr.rel @p0 .LBB2_1-.Ltmp1, $4  }
0x83: {  	[hbm4b:s6+s3] =	stream.linear.scatter [tilespmem:s18], [sflag:$0x2], $0x2000, $0x38;
	[tilespmem:$0x6210] =	vst v63  }
0x84: {  	_ =	swait.ge [sflag:s9], $0x2000  }
0x85: {  	[sflag:s9] =	ssyncset.done $0x0  }
0x86: {  	[sflag:s9] =	ssyncadd.s32 $0xFFFFE000  }
0x87: {  	_ =	sfence.sel $0x180000  }
0x88: {  	[bflag:$0x0] =	sbarrier.arrive $0xFFFF  }
0x89: {  	p0 =	sne.s32 s2, $0x0;
	_ =	strace $0x90000047  }
0x8a: {  	s0 =	sadd.s32 @!p0 $0x100000, s0;
	[bflag:$0x2] =	sbarrier.arrive $0xFFFF  }
0x8b: {  	[sflag:s0] =	ssyncadd.tile.s32 @!p0 $0x1;
	_ =	shalt  }
.Lfunc_end2:
_tile_overlayer_lowered:
.L_overlay_start_2:
0x8c: {  	(tag) =	ssettag $0x2  }
0x8d: {  	s0 =	rddreg [dreg:$0x0];
	s2 =	stileid.u32  }
0x8e: {  	s1 =	rddreg [dreg:$0x1];
	p0 =	sne.s32 s2, $0x0  }
0x8f: {  	s3 =	rddreg [dreg:$0x2];
	[bflag:$0x3] =	sbarrier.arrive $0xFFFF;
	s2 =	simm.s32 @!p0 $0x1C02  }
0x90: {  	[timem:s3], [sflag:s2] =	dma.local @!p0 [hbm:s0], s1  }
0x91: {  	s0 =	simm.s32 @!p0 $0x2  }
0x92: {  	_ =	swait.ge @!p0 [sflag:s0], s1  }
0x93: {  	s1 =	ssub.s32 @!p0 $0x0, s1;
	[sflag:s0] =	ssyncset.done @!p0 $0x0  }
0x94: {  	[sflag:s0] =	ssyncadd.s32 @!p0 s1  }
0x95: {  	[bflag:$0x3] =	sbarrier.arrive $0xFFFF  }
0x96: {  	_ =	shalt  }

</sc_bundles>
